<compile_context>
chip_gen: v7x
topology: tpu7x:2x2x1
jax: 0.10.2.dev20260603
libtpu: 0.0.44.dev20260713+nightly
codegen_flags: <defaults>
</compile_context>

<pallas_src>
import jax
import jax.numpy as jnp
import numpy as np
from jax.experimental import pallas as pl
from jax.experimental.pallas import tpu as pltpu

_TEMP = 0.8
_K = 50
_B = 128
_V = 100000
_VP = 102400
_W = 2048
_BR = 8
_NCH = _VP // _W
_NEG = np.float32(-1e30)
_INT_MIN = np.int32(-2147483648)


def _monotonic(bits):
    return jnp.where(bits < 0, bits ^ jnp.int32(0x7FFFFFFF), bits)


def _rotl(x, d):
    return jnp.left_shift(x, d) | jax.lax.shift_right_logical(x, 32 - d)


def _threefry_bits(p):
    ks0 = jnp.int32(0)
    ks1 = jnp.int32(1234)
    ks2 = jnp.int32(1234 ^ 0x1BD11BDA)
    x0 = jnp.zeros_like(p)
    x1 = p + ks1
    r0 = (13, 15, 26, 6)
    r1 = (17, 29, 16, 24)
    sched = ((r0, ks1, ks2, 1), (r1, ks2, ks0, 2), (r0, ks0, ks1, 3),
             (r1, ks1, ks2, 4), (r0, ks2, ks0, 5))
    for rs, a, b, i in sched:
        for r in rs:
            x0 = x0 + x1
            x1 = _rotl(x1, r)
            x1 = x0 ^ x1
        x0 = x0 + a
        x1 = x1 + b + jnp.int32(i)
    return x0 ^ x1


def _gumbel_from_bits(bits):
    fb = jax.lax.shift_right_logical(bits, 9) | jnp.int32(0x3F800000)
    u = jax.lax.bitcast_convert_type(fb, jnp.float32) - jnp.float32(1.0)
    tiny = jnp.float32(1.1754943508222875e-38)
    uu = jnp.maximum(tiny, u * (jnp.float32(1.0) - tiny) + tiny)
    return -jnp.log(-jnp.log(uu))


def _body(x_ref, probs_ref, nt_ref, yh_ref, yl_ref):
    blk = pl.program_id(0)

    def p1(ch, m):
        sl = pl.ds(pl.multiple_of(ch * _W, _W), _W)
        l = x_ref[:, sl] / jnp.float32(_TEMP)
        u = _monotonic(jax.lax.bitcast_convert_type(l, jnp.int32)) ^ _INT_MIN
        h = jax.lax.shift_right_logical(u, 16)
        lo = u & jnp.int32(0xFFFF)
        yh_ref[:, sl] = (h - jnp.int32(32768)).astype(jnp.int16)
        yl_ref[:, sl] = (lo - jnp.int32(32768)).astype(jnp.int16)
        return jnp.maximum(m, jnp.max(l, axis=1, keepdims=True))

    m = jax.lax.fori_loop(
        0, _NCH, p1, jnp.full((_BR, 1), -jnp.inf, jnp.float32))

    one16 = np.int16(1)
    zero16 = np.int16(0)

    def _count_hi(s_h16):
        def pcnt(ch, acc):
            sl = pl.ds(pl.multiple_of(ch * _W, _W), _W)
            yv = yh_ref[:, sl]
            return acc + jnp.where(yv >= s_h16, one16, zero16)

        acc = jax.lax.fori_loop(0, _NCH, pcnt,
                                jnp.zeros((_BR, _W), jnp.int16))
        return jnp.sum(acc.astype(jnp.int32), axis=1, keepdims=True)

    def pbit_hi(t, pref):
        bit = 15 - t
        cand = pref | jnp.left_shift(jnp.int32(1), bit)
        cnt = _count_hi((cand - jnp.int32(32768)).astype(jnp.int16))
        return jnp.where(cnt >= _K, cand, pref)

    pref_h = jax.lax.fori_loop(0, 16, pbit_hi,
                               jnp.zeros((_BR, 1), jnp.int32))
    ph16 = (pref_h - jnp.int32(32768)).astype(jnp.int16)

    cnt_gt = _count_hi((pref_h + 1 - jnp.int32(32768)).astype(jnp.int16))
    cnt_gt = jnp.where(pref_h >= jnp.int32(65535),
                       jnp.zeros_like(cnt_gt), cnt_gt)

    def pbit_lo(t, pref):
        bit = 15 - t
        cand = pref | jnp.left_shift(jnp.int32(1), bit)
        s_l16 = (cand - jnp.int32(32768)).astype(jnp.int16)

        def pcnt(ch, acc):
            sl = pl.ds(pl.multiple_of(ch * _W, _W), _W)
            hit = (yh_ref[:, sl] == ph16) & (yl_ref[:, sl] >= s_l16)
            return acc + jnp.where(hit, one16, zero16)

        acc = jax.lax.fori_loop(0, _NCH, pcnt,
                                jnp.zeros((_BR, _W), jnp.int16))
        cnt = cnt_gt + jnp.sum(acc.astype(jnp.int32), axis=1, keepdims=True)
        return jnp.where(cnt >= _K, cand, pref)

    pref_l = jax.lax.fori_loop(0, 16, pbit_lo,
                               jnp.zeros((_BR, 1), jnp.int32))

    u_star = jnp.left_shift(pref_h, 16) | pref_l
    y_star = u_star ^ _INT_MIN
    bits_star = jnp.where(y_star < 0, y_star ^ jnp.int32(0x7FFFFFFF), y_star)
    t_f = jax.lax.bitcast_convert_type(bits_star, jnp.float32)

    row = blk * _BR + jax.lax.broadcasted_iota(jnp.int32, (_BR, _W), 0)
    row_v = row * _V

    def p3(ch, carry):
        sacc, best, bidx = carry
        off = pl.multiple_of(ch * _W, _W)
        sl = pl.ds(off, _W)
        l = x_ref[:, sl] / jnp.float32(_TEMP)
        kept = l >= t_f
        e = jnp.where(kept, jnp.exp(l - m), jnp.float32(0.0))
        probs_ref[:, sl] = e
        sacc = sacc + jnp.sum(e, axis=1, keepdims=True)
        vg = ch * _W + jax.lax.broadcasted_iota(jnp.int32, (_BR, _W), 1)
        g = _gumbel_from_bits(_threefry_bits(row_v + vg))
        score = jnp.where(kept, l + g, _NEG)
        cb = jnp.max(score, axis=1, keepdims=True)
        ci = jnp.min(jnp.where(score == cb, vg, jnp.int32(2**30)),
                     axis=1, keepdims=True)
        upd = (cb > best) | ((cb == best) & (ci < bidx))
        best = jnp.where(upd, cb, best)
        bidx = jnp.where(upd, ci, bidx)
        return sacc, best, bidx

    sacc, best, bidx = jax.lax.fori_loop(
        0, _NCH, p3,
        (jnp.zeros((_BR, 1), jnp.float32),
         jnp.full((_BR, 1), -jnp.inf, jnp.float32),
         jnp.full((_BR, 1), 2**30, jnp.int32)))

    inv = jnp.float32(1.0) / sacc

    def p4(ch, _):
        sl = pl.ds(pl.multiple_of(ch * _W, _W), _W)
        probs_ref[:, sl] = probs_ref[:, sl] * inv
        return 0

    jax.lax.fori_loop(0, _NCH, p4, 0)
    nt_ref[...] = jnp.broadcast_to(bidx, (_BR, 128))


def kernel(x):
    xp = jnp.pad(x, ((0, 0), (0, _VP - _V)), constant_values=-jnp.inf)
    probs_p, nt = pl.pallas_call(
        _body,
        grid=(_B // _BR,),
        in_specs=[pl.BlockSpec((_BR, _VP), lambda i: (i, 0))],
        out_specs=[pl.BlockSpec((_BR, _VP), lambda i: (i, 0)),
                   pl.BlockSpec((_BR, 128), lambda i: (i, 0))],
        out_shape=[jax.ShapeDtypeStruct((_B, _VP), jnp.float32),
                   jax.ShapeDtypeStruct((_B, 128), jnp.int32)],
        scratch_shapes=[pltpu.VMEM((_BR, _VP), jnp.int16),
                        pltpu.VMEM((_BR, _VP), jnp.int16)],
    )(xp)
    return probs_p[:, :_V], nt[:, 0]

# --- scband reference (transcript-rebuilt; emitter-appended) ---
"""Pipeline reference for scband-standard-generator-44607530336712 (READ-ONLY COPY).

The authoritative reference and input builder live on the scoring server;
editing this copy changes nothing except your own understanding.
"""

import jax, jax.numpy as jnp
import numpy as np

TEMPERATURE = 0.8
TOP_K = 50
NEG_INF = -1e9


def setup_inputs(seed: int = 0) -> dict:
    key = jax.random.key(seed)
    x = jax.random.normal(key, (128, 100000), dtype=jnp.float32) * 2.0
    return {"x": x}


def reference(x):
    # One decode step of StandardGenerator.generate on last-token logits x: [B, vocab]
    logits = x / TEMPERATURE
    k = min(TOP_K, logits.shape[-1])
    # top-k masking: logits below the k-th largest value per row -> -inf
    v, _ = jax.lax.top_k(logits, k)
    thresh = v[:, -1:]
    masked = jnp.where(logits < thresh, NEG_INF, logits)
    probs = jax.nn.softmax(masked, axis=-1)
    # multinomial sampling (categorical over masked logits)
    next_token = jax.random.categorical(jax.random.key(1234), masked, axis=-1)
    return probs, next_token

if __name__ == "__main__":
    import jax
    _d = setup_inputs()
    print(jax.jit(kernel)(*tuple(_d.values())))

</pallas_src>

<mosaic_0001>
module attributes {stable_mosaic.version = 14 : i64} {
  func.func @_body(%arg0: i32, %arg1: memref<8x102400xf32, #tpu.memory_space<vmem>>, %arg2: memref<8x102400xf32, #tpu.memory_space<vmem>>, %arg3: memref<8x128xi32, #tpu.memory_space<vmem>>, %arg4: memref<8x102400xi16, #tpu.memory_space<vmem>>, %arg5: memref<8x102400xi16, #tpu.memory_space<vmem>>) attributes {dimension_semantics = [#tpu.dimension_semantics<arbitrary>], iteration_bounds = array<i64: 16>, scalar_prefetch = 0 : i64, scratch_operands = 2 : i64, tpu.core_type = #tpu.core_type<tc>, window_params = [{transform_indices = @transform_0, window_bounds = array<i64: 8, 102400>}, {transform_indices = @transform_1, window_bounds = array<i64: 8, 102400>}, {transform_indices = @transform_2, window_bounds = array<i64: 8, 128>}]} {
    %broadcast_in_dim3A = arith.constant 0xFF800000 : f32
    %broadcast_in_dim3A_0 = vector.broadcast %broadcast_in_dim3A : f32 to vector<8x1xf32>
    %scan3A = arith.constant 0 : i32
    %scan3A_1 = arith.constant 50 : i32
    %scan3A_2 = arith.addi %scan3A, %scan3A_1 : i32
    %scan3A_3 = arith.constant 1 : i32
    %scan3A_4 = scf.for %scan3A_84 = %scan3A to %scan3A_2 step %scan3A_3 iter_args(%scan3A_85 = %broadcast_in_dim3A_0) -> (vector<8x1xf32>)  : i32 {
      %mul3A_86 = arith.constant 2048 : i32
      %mul3A_87 = arith.muli %scan3A_84, %mul3A_86 : i32
      %multiple_of3A = tpu.assume_multiple %mul3A_87, 2048 : i32
      %get3A = arith.constant 0 : index
      %get3A_88 = arith.index_cast %multiple_of3A : i32 to index
      %get3A_89 = vector.load %arg1[%get3A, %get3A_88] : memref<8x102400xf32, #tpu.memory_space<vmem>>, vector<8x2048xf32>
      %div3A_90 = arith.constant 8.000000e-01 : f32
      %div3A_91 = vector.broadcast %div3A_90 : f32 to vector<8x2048xf32>
      %div3A_92 = arith.divf %get3A_89, %div3A_91 : vector<8x2048xf32>
      %bitcast_convert_type3A_93 = tpu.bitcast %div3A_92 : vector<8x2048xf32> -> vector<8x2048xi32>
      %lt3A_94 = arith.constant 0 : i32
      %lt3A_95 = vector.broadcast %lt3A_94 : i32 to vector<8x2048xi32>
      %lt3A_96 = arith.cmpi slt, %bitcast_convert_type3A_93, %lt3A_95 : vector<8x2048xi32>
      %xor3A_97 = arith.constant 2147483647 : i32
      %xor3A_98 = vector.broadcast %xor3A_97 : i32 to vector<8x2048xi32>
      %xor3A_99 = arith.xori %bitcast_convert_type3A_93, %xor3A_98 : vector<8x2048xi32>
      %select_n3A_100 = arith.select %lt3A_96, %xor3A_99, %bitcast_convert_type3A_93 : vector<8x2048xi1>, vector<8x2048xi32>
      %xor3A_101 = arith.constant -2147483648 : i32
      %xor3A_102 = vector.broadcast %xor3A_101 : i32 to vector<8x2048xi32>
      %xor3A_103 = arith.xori %select_n3A_100, %xor3A_102 : vector<8x2048xi32>
      %shift_right_logical3A = arith.constant 16 : i32
      %shift_right_logical3A_104 = vector.broadcast %shift_right_logical3A : i32 to vector<8x2048xi32>
      %shift_right_logical3A_105 = arith.shrui %xor3A_103, %shift_right_logical3A_104 : vector<8x2048xi32>
      %and3A = arith.constant 65535 : i32
      %and3A_106 = vector.broadcast %and3A : i32 to vector<8x2048xi32>
      %and3A_107 = arith.andi %xor3A_103, %and3A_106 : vector<8x2048xi32>
      %sub3A_108 = arith.constant 32768 : i32
      %sub3A_109 = vector.broadcast %sub3A_108 : i32 to vector<8x2048xi32>
      %sub3A_110 = arith.subi %shift_right_logical3A_105, %sub3A_109 : vector<8x2048xi32>
      %convert_element_type3A_111 = arith.trunci %sub3A_110 : vector<8x2048xi32> to vector<8x2048xi16>
      %swap3A_112 = arith.constant 0 : index
      %swap3A_113 = arith.index_cast %multiple_of3A : i32 to index
      %swap3A_114 = vector.load %arg4[%swap3A_112, %swap3A_113] : memref<8x102400xi16, #tpu.memory_space<vmem>>, vector<8x2048xi16>
      tpu.vector_store %arg4[%swap3A_112, %swap3A_113], %convert_element_type3A_111 {strides = array<i32>} : memref<8x102400xi16, #tpu.memory_space<vmem>>, vector<8x2048xi16>,
      %sub3A_115 = arith.constant 32768 : i32
      %sub3A_116 = vector.broadcast %sub3A_115 : i32 to vector<8x2048xi32>
      %sub3A_117 = arith.subi %and3A_107, %sub3A_116 : vector<8x2048xi32>
      %convert_element_type3A_118 = arith.trunci %sub3A_117 : vector<8x2048xi32> to vector<8x2048xi16>
      %swap3A_119 = arith.constant 0 : index
      %swap3A_120 = arith.index_cast %multiple_of3A : i32 to index
      %swap3A_121 = vector.load %arg5[%swap3A_119, %swap3A_120] : memref<8x102400xi16, #tpu.memory_space<vmem>>, vector<8x2048xi16>
      tpu.vector_store %arg5[%swap3A_119, %swap3A_120], %convert_element_type3A_118 {strides = array<i32>} : memref<8x102400xi16, #tpu.memory_space<vmem>>, vector<8x2048xi16>,
      %reduce_max3A = arith.constant dense<0xFF800000> : vector<8xf32>
      %reduce_max3A_122 = vector.multi_reduction <maximumf>, %div3A_92, %reduce_max3A [1] : vector<8x2048xf32> to vector<8xf32>
      %broadcast_in_dim3A_123 = vector.shape_cast %reduce_max3A_122 : vector<8xf32> to vector<8x1xf32>
      %max3A = arith.maximumf %scan3A_85, %broadcast_in_dim3A_123 : vector<8x1xf32>
      scf.yield %max3A : vector<8x1xf32>
    }
    %scan3A_5 = arith.constant 50 : i32
    %broadcast_in_dim3A_6 = arith.constant 0 : i32
    %broadcast_in_dim3A_7 = vector.broadcast %broadcast_in_dim3A_6 : i32 to vector<8x1xi32>
    %scan3A_8 = arith.constant 0 : i32
    %scan3A_9 = arith.constant 16 : i32
    %scan3A_10 = arith.addi %scan3A_8, %scan3A_9 : i32
    %scan3A_11 = arith.constant 1 : i32
    %scan3A_12 = scf.for %scan3A_84 = %scan3A_8 to %scan3A_10 step %scan3A_11 iter_args(%scan3A_85 = %broadcast_in_dim3A_7) -> (vector<8x1xi32>)  : i32 {
      %sub3A_86 = arith.constant 15 : i32
      %sub3A_87 = arith.subi %sub3A_86, %scan3A_84 : i32
      %shift_left3A_88 = arith.constant 1 : i32
      %shift_left3A_89 = arith.shli %shift_left3A_88, %sub3A_87 : i32
      %or3A_90 = vector.broadcast %shift_left3A_89 : i32 to vector<8x1xi32>
      %or3A_91 = arith.ori %scan3A_85, %or3A_90 : vector<8x1xi32>
      %sub3A_92 = arith.constant 32768 : i32
      %sub3A_93 = vector.broadcast %sub3A_92 : i32 to vector<8x1xi32>
      %sub3A_94 = arith.subi %or3A_91, %sub3A_93 : vector<8x1xi32>
      %convert_element_type3A_95 = arith.trunci %sub3A_94 : vector<8x1xi32> to vector<8x1xi16>
      %broadcast_in_dim3A_96 = arith.constant 0 : i16
      %broadcast_in_dim3A_97 = vector.broadcast %broadcast_in_dim3A_96 : i16 to vector<8x2048xi16>
      %scan3A_98 = arith.constant 0 : i32
      %scan3A_99 = arith.constant 50 : i32
      %scan3A_100 = arith.addi %scan3A_98, %scan3A_99 : i32
      %scan3A_101 = arith.constant 1 : i32
      %scan3A_102 = scf.for %scan3A_112 = %scan3A_98 to %scan3A_100 step %scan3A_101 iter_args(%scan3A_113 = %broadcast_in_dim3A_97) -> (vector<8x2048xi16>)  : i32 {
        %mul3A_114 = arith.constant 2048 : i32
        %mul3A_115 = arith.muli %scan3A_112, %mul3A_114 : i32
        %multiple_of3A = tpu.assume_multiple %mul3A_115, 2048 : i32
        %get3A = arith.constant 0 : index
        %get3A_116 = arith.index_cast %multiple_of3A : i32 to index
        %get3A_117 = vector.load %arg4[%get3A, %get3A_116] : memref<8x102400xi16, #tpu.memory_space<vmem>>, vector<8x2048xi16>
        %ge3A_118 = vector.broadcast %convert_element_type3A_95 : vector<8x1xi16> to vector<8x2048xi16>
        %ge3A_119 = arith.cmpi sge, %get3A_117, %ge3A_118 : vector<8x2048xi16>
        %jit3A = arith.constant 1 : i16
        %jit3A_120 = arith.constant 0 : i16
        %broadcast_in_dim3A_121 = vector.broadcast %jit3A : i16 to vector<8x2048xi16>
        %broadcast_in_dim3A_122 = vector.broadcast %jit3A_120 : i16 to vector<8x2048xi16>
        %select_n3A_123 = arith.select %ge3A_119, %broadcast_in_dim3A_121, %broadcast_in_dim3A_122 : vector<8x2048xi1>, vector<8x2048xi16>
        %add3A_124 = arith.addi %scan3A_113, %select_n3A_123 : vector<8x2048xi16>
        scf.yield %add3A_124 : vector<8x2048xi16>
      }
      %scan3A_103 = arith.constant 50 : i32
      %convert_element_type3A_104 = arith.extsi %scan3A_102 : vector<8x2048xi16> to vector<8x2048xi32>
      %reduce_sum3A_105 = arith.constant dense<0> : vector<8xi32>
      %reduce_sum3A_106 = vector.multi_reduction <add>, %convert_element_type3A_104, %reduce_sum3A_105 [1] : vector<8x2048xi32> to vector<8xi32>
      %broadcast_in_dim3A_107 = vector.shape_cast %reduce_sum3A_106 : vector<8xi32> to vector<8x1xi32>
      %ge3A_108 = arith.constant 50 : i32
      %ge3A_109 = vector.broadcast %ge3A_108 : i32 to vector<8x1xi32>
      %ge3A_110 = arith.cmpi sge, %broadcast_in_dim3A_107, %ge3A_109 : vector<8x1xi32>
      %select_n3A_111 = arith.select %ge3A_110, %or3A_91, %scan3A_85 : vector<8x1xi1>, vector<8x1xi32>
      scf.yield %select_n3A_111 : vector<8x1xi32>
    }
    %scan3A_13 = arith.constant 16 : i32
    %sub3A = arith.constant 32768 : i32
    %sub3A_14 = vector.broadcast %sub3A : i32 to vector<8x1xi32>
    %sub3A_15 = arith.subi %scan3A_12, %sub3A_14 : vector<8x1xi32>
    %convert_element_type3A = arith.trunci %sub3A_15 : vector<8x1xi32> to vector<8x1xi16>
    %add3A = arith.constant 1 : i32
    %add3A_16 = vector.broadcast %add3A : i32 to vector<8x1xi32>
    %add3A_17 = arith.addi %scan3A_12, %add3A_16 : vector<8x1xi32>
    %sub3A_18 = arith.constant 32768 : i32
    %sub3A_19 = vector.broadcast %sub3A_18 : i32 to vector<8x1xi32>
    %sub3A_20 = arith.subi %add3A_17, %sub3A_19 : vector<8x1xi32>
    %convert_element_type3A_21 = arith.trunci %sub3A_20 : vector<8x1xi32> to vector<8x1xi16>
    %broadcast_in_dim3A_22 = arith.constant 0 : i16
    %broadcast_in_dim3A_23 = vector.broadcast %broadcast_in_dim3A_22 : i16 to vector<8x2048xi16>
    %scan3A_24 = arith.constant 0 : i32
    %scan3A_25 = arith.constant 50 : i32
    %scan3A_26 = arith.addi %scan3A_24, %scan3A_25 : i32
    %scan3A_27 = arith.constant 1 : i32
    %scan3A_28 = scf.for %scan3A_84 = %scan3A_24 to %scan3A_26 step %scan3A_27 iter_args(%scan3A_85 = %broadcast_in_dim3A_23) -> (vector<8x2048xi16>)  : i32 {
      %mul3A_86 = arith.constant 2048 : i32
      %mul3A_87 = arith.muli %scan3A_84, %mul3A_86 : i32
      %multiple_of3A = tpu.assume_multiple %mul3A_87, 2048 : i32
      %get3A = arith.constant 0 : index
      %get3A_88 = arith.index_cast %multiple_of3A : i32 to index
      %get3A_89 = vector.load %arg4[%get3A, %get3A_88] : memref<8x102400xi16, #tpu.memory_space<vmem>>, vector<8x2048xi16>
      %ge3A_90 = vector.broadcast %convert_element_type3A_21 : vector<8x1xi16> to vector<8x2048xi16>
      %ge3A_91 = arith.cmpi sge, %get3A_89, %ge3A_90 : vector<8x2048xi16>
      %jit3A = arith.constant 1 : i16
      %jit3A_92 = arith.constant 0 : i16
      %broadcast_in_dim3A_93 = vector.broadcast %jit3A : i16 to vector<8x2048xi16>
      %broadcast_in_dim3A_94 = vector.broadcast %jit3A_92 : i16 to vector<8x2048xi16>
      %select_n3A_95 = arith.select %ge3A_91, %broadcast_in_dim3A_93, %broadcast_in_dim3A_94 : vector<8x2048xi1>, vector<8x2048xi16>
      %add3A_96 = arith.addi %scan3A_85, %select_n3A_95 : vector<8x2048xi16>
      scf.yield %add3A_96 : vector<8x2048xi16>
    }
    %scan3A_29 = arith.constant 50 : i32
    %convert_element_type3A_30 = arith.extsi %scan3A_28 : vector<8x2048xi16> to vector<8x2048xi32>
    %reduce_sum3A = arith.constant dense<0> : vector<8xi32>
    %reduce_sum3A_31 = vector.multi_reduction <add>, %convert_element_type3A_30, %reduce_sum3A [1] : vector<8x2048xi32> to vector<8xi32>
    %broadcast_in_dim3A_32 = vector.shape_cast %reduce_sum3A_31 : vector<8xi32> to vector<8x1xi32>
    %ge3A = arith.constant 65535 : i32
    %ge3A_33 = vector.broadcast %ge3A : i32 to vector<8x1xi32>
    %ge3A_34 = arith.cmpi sge, %scan3A_12, %ge3A_33 : vector<8x1xi32>
    %broadcast_in_dim3A_35 = arith.constant 0 : i32
    %broadcast_in_dim3A_36 = vector.broadcast %broadcast_in_dim3A_35 : i32 to vector<8x1xi32>
    %select_n3A = arith.select %ge3A_34, %broadcast_in_dim3A_36, %broadcast_in_dim3A_32 : vector<8x1xi1>, vector<8x1xi32>
    %broadcast_in_dim3A_37 = arith.constant 0 : i32
    %broadcast_in_dim3A_38 = vector.broadcast %broadcast_in_dim3A_37 : i32 to vector<8x1xi32>
    %scan3A_39 = arith.constant 0 : i32
    %scan3A_40 = arith.constant 16 : i32
    %scan3A_41 = arith.addi %scan3A_39, %scan3A_40 : i32
    %scan3A_42 = arith.constant 1 : i32
    %scan3A_43 = scf.for %scan3A_84 = %scan3A_39 to %scan3A_41 step %scan3A_42 iter_args(%scan3A_85 = %broadcast_in_dim3A_38) -> (vector<8x1xi32>)  : i32 {
      %sub3A_86 = arith.constant 15 : i32
      %sub3A_87 = arith.subi %sub3A_86, %scan3A_84 : i32
      %shift_left3A_88 = arith.constant 1 : i32
      %shift_left3A_89 = arith.shli %shift_left3A_88, %sub3A_87 : i32
      %or3A_90 = vector.broadcast %shift_left3A_89 : i32 to vector<8x1xi32>
      %or3A_91 = arith.ori %scan3A_85, %or3A_90 : vector<8x1xi32>
      %sub3A_92 = arith.constant 32768 : i32
      %sub3A_93 = vector.broadcast %sub3A_92 : i32 to vector<8x1xi32>
      %sub3A_94 = arith.subi %or3A_91, %sub3A_93 : vector<8x1xi32>
      %convert_element_type3A_95 = arith.trunci %sub3A_94 : vector<8x1xi32> to vector<8x1xi16>
      %broadcast_in_dim3A_96 = arith.constant 0 : i16
      %broadcast_in_dim3A_97 = vector.broadcast %broadcast_in_dim3A_96 : i16 to vector<8x2048xi16>
      %scan3A_98 = arith.constant 0 : i32
      %scan3A_99 = arith.constant 50 : i32
      %scan3A_100 = arith.addi %scan3A_98, %scan3A_99 : i32
      %scan3A_101 = arith.constant 1 : i32
      %scan3A_102 = scf.for %scan3A_113 = %scan3A_98 to %scan3A_100 step %scan3A_101 iter_args(%scan3A_114 = %broadcast_in_dim3A_97) -> (vector<8x2048xi16>)  : i32 {
        %mul3A_115 = arith.constant 2048 : i32
        %mul3A_116 = arith.muli %scan3A_113, %mul3A_115 : i32
        %multiple_of3A = tpu.assume_multiple %mul3A_116, 2048 : i32
        %get3A = arith.constant 0 : index
        %get3A_117 = arith.index_cast %multiple_of3A : i32 to index
        %get3A_118 = vector.load %arg4[%get3A, %get3A_117] : memref<8x102400xi16, #tpu.memory_space<vmem>>, vector<8x2048xi16>
        %eq3A = vector.broadcast %convert_element_type3A : vector<8x1xi16> to vector<8x2048xi16>
        %eq3A_119 = arith.cmpi eq, %get3A_118, %eq3A : vector<8x2048xi16>
        %get3A_120 = arith.constant 0 : index
        %get3A_121 = arith.index_cast %multiple_of3A : i32 to index
        %get3A_122 = vector.load %arg5[%get3A_120, %get3A_121] : memref<8x102400xi16, #tpu.memory_space<vmem>>, vector<8x2048xi16>
        %ge3A_123 = vector.broadcast %convert_element_type3A_95 : vector<8x1xi16> to vector<8x2048xi16>
        %ge3A_124 = arith.cmpi sge, %get3A_122, %ge3A_123 : vector<8x2048xi16>
        %and3A = arith.andi %eq3A_119, %ge3A_124 : vector<8x2048xi1>
        %jit3A = arith.constant 1 : i16
        %jit3A_125 = arith.constant 0 : i16
        %broadcast_in_dim3A_126 = vector.broadcast %jit3A : i16 to vector<8x2048xi16>
        %broadcast_in_dim3A_127 = vector.broadcast %jit3A_125 : i16 to vector<8x2048xi16>
        %select_n3A_128 = arith.select %and3A, %broadcast_in_dim3A_126, %broadcast_in_dim3A_127 : vector<8x2048xi1>, vector<8x2048xi16>
        %add3A_129 = arith.addi %scan3A_114, %select_n3A_128 : vector<8x2048xi16>
        scf.yield %add3A_129 : vector<8x2048xi16>
      }
      %scan3A_103 = arith.constant 50 : i32
      %convert_element_type3A_104 = arith.extsi %scan3A_102 : vector<8x2048xi16> to vector<8x2048xi32>
      %reduce_sum3A_105 = arith.constant dense<0> : vector<8xi32>
      %reduce_sum3A_106 = vector.multi_reduction <add>, %convert_element_type3A_104, %reduce_sum3A_105 [1] : vector<8x2048xi32> to vector<8xi32>
      %broadcast_in_dim3A_107 = vector.shape_cast %reduce_sum3A_106 : vector<8xi32> to vector<8x1xi32>
      %add3A_108 = arith.addi %select_n3A, %broadcast_in_dim3A_107 : vector<8x1xi32>
      %ge3A_109 = arith.constant 50 : i32
      %ge3A_110 = vector.broadcast %ge3A_109 : i32 to vector<8x1xi32>
      %ge3A_111 = arith.cmpi sge, %add3A_108, %ge3A_110 : vector<8x1xi32>
      %select_n3A_112 = arith.select %ge3A_111, %or3A_91, %scan3A_85 : vector<8x1xi1>, vector<8x1xi32>
      scf.yield %select_n3A_112 : vector<8x1xi32>
    }
    %scan3A_44 = arith.constant 16 : i32
    %shift_left3A = arith.constant 16 : i32
    %shift_left3A_45 = vector.broadcast %shift_left3A : i32 to vector<8x1xi32>
    %shift_left3A_46 = arith.shli %scan3A_12, %shift_left3A_45 : vector<8x1xi32>
    %or3A = arith.ori %shift_left3A_46, %scan3A_43 : vector<8x1xi32>
    %xor3A = arith.constant -2147483648 : i32
    %xor3A_47 = vector.broadcast %xor3A : i32 to vector<8x1xi32>
    %xor3A_48 = arith.xori %or3A, %xor3A_47 : vector<8x1xi32>
    %lt3A = arith.constant 0 : i32
    %lt3A_49 = vector.broadcast %lt3A : i32 to vector<8x1xi32>
    %lt3A_50 = arith.cmpi slt, %xor3A_48, %lt3A_49 : vector<8x1xi32>
    %xor3A_51 = arith.constant 2147483647 : i32
    %xor3A_52 = vector.broadcast %xor3A_51 : i32 to vector<8x1xi32>
    %xor3A_53 = arith.xori %xor3A_48, %xor3A_52 : vector<8x1xi32>
    %select_n3A_54 = arith.select %lt3A_50, %xor3A_53, %xor3A_48 : vector<8x1xi1>, vector<8x1xi32>
    %bitcast_convert_type3A = tpu.bitcast %select_n3A_54 : vector<8x1xi32> -> vector<8x1xf32>
    %mul3A = arith.constant 8 : i32
    %mul3A_55 = arith.muli %arg0, %mul3A : i32
    %iota3A = tpu.iota {dimensions = array<i32: 0>} : vector<8x2048xi32>
    %add3A_56 = vector.broadcast %mul3A_55 : i32 to vector<8x2048xi32>
    %add3A_57 = arith.addi %add3A_56, %iota3A : vector<8x2048xi32>
    %mul3A_58 = arith.constant 100000 : i32
    %mul3A_59 = vector.broadcast %mul3A_58 : i32 to vector<8x2048xi32>
    %mul3A_60 = arith.muli %add3A_57, %mul3A_59 : vector<8x2048xi32>
    %broadcast_in_dim3A_61 = arith.constant 0.000000e+00 : f32
    %broadcast_in_dim3A_62 = vector.broadcast %broadcast_in_dim3A_61 : f32 to vector<8x1xf32>
    %broadcast_in_dim3A_63 = arith.constant 0xFF800000 : f32
    %broadcast_in_dim3A_64 = vector.broadcast %broadcast_in_dim3A_63 : f32 to vector<8x1xf32>
    %broadcast_in_dim3A_65 = arith.constant 1073741824 : i32
    %broadcast_in_dim3A_66 = vector.broadcast %broadcast_in_dim3A_65 : i32 to vector<8x1xi32>
    %scan3A_67 = arith.constant 0 : i32
    %scan3A_68 = arith.constant 50 : i32
    %scan3A_69 = arith.addi %scan3A_67, %scan3A_68 : i32
    %scan3A_70 = arith.constant 1 : i32
    %scan3A_71:3 = scf.for %scan3A_84 = %scan3A_67 to %scan3A_69 step %scan3A_70 iter_args(%scan3A_85 = %broadcast_in_dim3A_62, %scan3A_86 = %broadcast_in_dim3A_64, %scan3A_87 = %broadcast_in_dim3A_66) -> (vector<8x1xf32>, vector<8x1xf32>, vector<8x1xi32>)  : i32 {
      %mul3A_88 = arith.constant 2048 : i32
      %mul3A_89 = arith.muli %scan3A_84, %mul3A_88 : i32
      %multiple_of3A = tpu.assume_multiple %mul3A_89, 2048 : i32
      %get3A = arith.constant 0 : index
      %get3A_90 = arith.index_cast %multiple_of3A : i32 to index
      %get3A_91 = vector.load %arg1[%get3A, %get3A_90] : memref<8x102400xf32, #tpu.memory_space<vmem>>, vector<8x2048xf32>
      %div3A_92 = arith.constant 8.000000e-01 : f32
      %div3A_93 = vector.broadcast %div3A_92 : f32 to vector<8x2048xf32>
      %div3A_94 = arith.divf %get3A_91, %div3A_93 : vector<8x2048xf32>
      %ge3A_95 = vector.broadcast %bitcast_convert_type3A : vector<8x1xf32> to vector<8x2048xf32>
      %ge3A_96 = arith.cmpf oge, %div3A_94, %ge3A_95 : vector<8x2048xf32>
      %sub3A_97 = vector.broadcast %scan3A_4 : vector<8x1xf32> to vector<8x2048xf32>
      %sub3A_98 = arith.subf %div3A_94, %sub3A_97 : vector<8x2048xf32>
      %exp3A = math.exp %sub3A_98 : vector<8x2048xf32>
      %jit3A = arith.constant 0.000000e+00 : f32
      %broadcast_in_dim3A_99 = vector.broadcast %jit3A : f32 to vector<8x2048xf32>
      %select_n3A_100 = arith.select %ge3A_96, %exp3A, %broadcast_in_dim3A_99 : vector<8x2048xi1>, vector<8x2048xf32>
      %swap3A_101 = arith.constant 0 : index
      %swap3A_102 = arith.index_cast %multiple_of3A : i32 to index
      %swap3A_103 = vector.load %arg2[%swap3A_101, %swap3A_102] : memref<8x102400xf32, #tpu.memory_space<vmem>>, vector<8x2048xf32>
      tpu.vector_store %arg2[%swap3A_101, %swap3A_102], %select_n3A_100 {strides = array<i32>} : memref<8x102400xf32, #tpu.memory_space<vmem>>, vector<8x2048xf32>,
      %reduce_sum3A_104 = arith.constant dense<0.000000e+00> : vector<8xf32>
      %reduce_sum3A_105 = vector.multi_reduction <add>, %select_n3A_100, %reduce_sum3A_104 [1] : vector<8x2048xf32> to vector<8xf32>
      %broadcast_in_dim3A_106 = vector.shape_cast %reduce_sum3A_105 : vector<8xf32> to vector<8x1xf32>
      %add3A_107 = arith.addf %scan3A_85, %broadcast_in_dim3A_106 : vector<8x1xf32>
      %mul3A_108 = arith.constant 2048 : i32
      %mul3A_109 = arith.muli %scan3A_84, %mul3A_108 : i32
      %iota3A_110 = tpu.iota {dimensions = array<i32: 1>} : vector<8x2048xi32>
      %add3A_111 = vector.broadcast %mul3A_109 : i32 to vector<8x2048xi32>
      %add3A_112 = arith.addi %add3A_111, %iota3A_110 : vector<8x2048xi32>
      %add3A_113 = arith.addi %mul3A_60, %add3A_112 : vector<8x2048xi32>
      %broadcast_in_dim3A_114 = arith.constant 0 : i32
      %broadcast_in_dim3A_115 = vector.broadcast %broadcast_in_dim3A_114 : i32 to vector<8x2048xi32>
      %add3A_116 = arith.constant 1234 : i32
      %add3A_117 = vector.broadcast %add3A_116 : i32 to vector<8x2048xi32>
      %add3A_118 = arith.addi %add3A_113, %add3A_117 : vector<8x2048xi32>
      %add3A_119 = arith.addi %broadcast_in_dim3A_115, %add3A_118 : vector<8x2048xi32>
      %shift_left3A_120 = arith.constant 13 : i32
      %shift_left3A_121 = vector.broadcast %shift_left3A_120 : i32 to vector<8x2048xi32>
      %shift_left3A_122 = arith.shli %add3A_118, %shift_left3A_121 : vector<8x2048xi32>
      %shift_right_logical3A = arith.constant 19 : i32
      %shift_right_logical3A_123 = vector.broadcast %shift_right_logical3A : i32 to vector<8x2048xi32>
      %shift_right_logical3A_124 = arith.shrui %add3A_118, %shift_right_logical3A_123 : vector<8x2048xi32>
      %or3A_125 = arith.ori %shift_left3A_122, %shift_right_logical3A_124 : vector<8x2048xi32>
      %xor3A_126 = arith.xori %add3A_119, %or3A_125 : vector<8x2048xi32>
      %add3A_127 = arith.addi %add3A_119, %xor3A_126 : vector<8x2048xi32>
      %shift_left3A_128 = arith.constant 15 : i32
      %shift_left3A_129 = vector.broadcast %shift_left3A_128 : i32 to vector<8x2048xi32>
      %shift_left3A_130 = arith.shli %xor3A_126, %shift_left3A_129 : vector<8x2048xi32>
      %shift_right_logical3A_131 = arith.constant 17 : i32
      %shift_right_logical3A_132 = vector.broadcast %shift_right_logical3A_131 : i32 to vector<8x2048xi32>
      %shift_right_logical3A_133 = arith.shrui %xor3A_126, %shift_right_logical3A_132 : vector<8x2048xi32>
      %or3A_134 = arith.ori %shift_left3A_130, %shift_right_logical3A_133 : vector<8x2048xi32>
      %xor3A_135 = arith.xori %add3A_127, %or3A_134 : vector<8x2048xi32>
      %add3A_136 = arith.addi %add3A_127, %xor3A_135 : vector<8x2048xi32>
      %shift_left3A_137 = arith.constant 26 : i32
      %shift_left3A_138 = vector.broadcast %shift_left3A_137 : i32 to vector<8x2048xi32>
      %shift_left3A_139 = arith.shli %xor3A_135, %shift_left3A_138 : vector<8x2048xi32>
      %shift_right_logical3A_140 = arith.constant 6 : i32
      %shift_right_logical3A_141 = vector.broadcast %shift_right_logical3A_140 : i32 to vector<8x2048xi32>
      %shift_right_logical3A_142 = arith.shrui %xor3A_135, %shift_right_logical3A_141 : vector<8x2048xi32>
      %or3A_143 = arith.ori %shift_left3A_139, %shift_right_logical3A_142 : vector<8x2048xi32>
      %xor3A_144 = arith.xori %add3A_136, %or3A_143 : vector<8x2048xi32>
      %add3A_145 = arith.addi %add3A_136, %xor3A_144 : vector<8x2048xi32>
      %shift_left3A_146 = arith.constant 6 : i32
      %shift_left3A_147 = vector.broadcast %shift_left3A_146 : i32 to vector<8x2048xi32>
      %shift_left3A_148 = arith.shli %xor3A_144, %shift_left3A_147 : vector<8x2048xi32>
      %shift_right_logical3A_149 = arith.constant 26 : i32
      %shift_right_logical3A_150 = vector.broadcast %shift_right_logical3A_149 : i32 to vector<8x2048xi32>
      %shift_right_logical3A_151 = arith.shrui %xor3A_144, %shift_right_logical3A_150 : vector<8x2048xi32>
      %or3A_152 = arith.ori %shift_left3A_148, %shift_right_logical3A_151 : vector<8x2048xi32>
      %xor3A_153 = arith.xori %add3A_145, %or3A_152 : vector<8x2048xi32>
      %add3A_154 = arith.constant 1234 : i32
      %add3A_155 = vector.broadcast %add3A_154 : i32 to vector<8x2048xi32>
      %add3A_156 = arith.addi %add3A_145, %add3A_155 : vector<8x2048xi32>
      %add3A_157 = arith.constant 466689800 : i32
      %add3A_158 = vector.broadcast %add3A_157 : i32 to vector<8x2048xi32>
      %add3A_159 = arith.addi %xor3A_153, %add3A_158 : vector<8x2048xi32>
      %add3A_160 = arith.constant 1 : i32
      %add3A_161 = vector.broadcast %add3A_160 : i32 to vector<8x2048xi32>
      %add3A_162 = arith.addi %add3A_159, %add3A_161 : vector<8x2048xi32>
      %add3A_163 = arith.addi %add3A_156, %add3A_162 : vector<8x2048xi32>
      %shift_left3A_164 = arith.constant 17 : i32
      %shift_left3A_165 = vector.broadcast %shift_left3A_164 : i32 to vector<8x2048xi32>
      %shift_left3A_166 = arith.shli %add3A_162, %shift_left3A_165 : vector<8x2048xi32>
      %shift_right_logical3A_167 = arith.constant 15 : i32
      %shift_right_logical3A_168 = vector.broadcast %shift_right_logical3A_167 : i32 to vector<8x2048xi32>
      %shift_right_logical3A_169 = arith.shrui %add3A_162, %shift_right_logical3A_168 : vector<8x2048xi32>
      %or3A_170 = arith.ori %shift_left3A_166, %shift_right_logical3A_169 : vector<8x2048xi32>
      %xor3A_171 = arith.xori %add3A_163, %or3A_170 : vector<8x2048xi32>
      %add3A_172 = arith.addi %add3A_163, %xor3A_171 : vector<8x2048xi32>
      %shift_left3A_173 = arith.constant 29 : i32
      %shift_left3A_174 = vector.broadcast %shift_left3A_173 : i32 to vector<8x2048xi32>
      %shift_left3A_175 = arith.shli %xor3A_171, %shift_left3A_174 : vector<8x2048xi32>
      %shift_right_logical3A_176 = arith.constant 3 : i32
      %shift_right_logical3A_177 = vector.broadcast %shift_right_logical3A_176 : i32 to vector<8x2048xi32>
      %shift_right_logical3A_178 = arith.shrui %xor3A_171, %shift_right_logical3A_177 : vector<8x2048xi32>
      %or3A_179 = arith.ori %shift_left3A_175, %shift_right_logical3A_178 : vector<8x2048xi32>
      %xor3A_180 = arith.xori %add3A_172, %or3A_179 : vector<8x2048xi32>
      %add3A_181 = arith.addi %add3A_172, %xor3A_180 : vector<8x2048xi32>
      %shift_left3A_182 = arith.constant 16 : i32
      %shift_left3A_183 = vector.broadcast %shift_left3A_182 : i32 to vector<8x2048xi32>
      %shift_left3A_184 = arith.shli %xor3A_180, %shift_left3A_183 : vector<8x2048xi32>
      %shift_right_logical3A_185 = arith.constant 16 : i32
      %shift_right_logical3A_186 = vector.broadcast %shift_right_logical3A_185 : i32 to vector<8x2048xi32>
      %shift_right_logical3A_187 = arith.shrui %xor3A_180, %shift_right_logical3A_186 : vector<8x2048xi32>
      %or3A_188 = arith.ori %shift_left3A_184, %shift_right_logical3A_187 : vector<8x2048xi32>
      %xor3A_189 = arith.xori %add3A_181, %or3A_188 : vector<8x2048xi32>
      %add3A_190 = arith.addi %add3A_181, %xor3A_189 : vector<8x2048xi32>
      %shift_left3A_191 = arith.constant 24 : i32
      %shift_left3A_192 = vector.broadcast %shift_left3A_191 : i32 to vector<8x2048xi32>
      %shift_left3A_193 = arith.shli %xor3A_189, %shift_left3A_192 : vector<8x2048xi32>
      %shift_right_logical3A_194 = arith.constant 8 : i32
      %shift_right_logical3A_195 = vector.broadcast %shift_right_logical3A_194 : i32 to vector<8x2048xi32>
      %shift_right_logical3A_196 = arith.shrui %xor3A_189, %shift_right_logical3A_195 : vector<8x2048xi32>
      %or3A_197 = arith.ori %shift_left3A_193, %shift_right_logical3A_196 : vector<8x2048xi32>
      %xor3A_198 = arith.xori %add3A_190, %or3A_197 : vector<8x2048xi32>
      %add3A_199 = arith.constant 466689800 : i32
      %add3A_200 = vector.broadcast %add3A_199 : i32 to vector<8x2048xi32>
      %add3A_201 = arith.addi %add3A_190, %add3A_200 : vector<8x2048xi32>
      %add3A_202 = arith.constant 0 : i32
      %add3A_203 = vector.broadcast %add3A_202 : i32 to vector<8x2048xi32>
      %add3A_204 = arith.addi %xor3A_198, %add3A_203 : vector<8x2048xi32>
      %add3A_205 = arith.constant 2 : i32
      %add3A_206 = vector.broadcast %add3A_205 : i32 to vector<8x2048xi32>
      %add3A_207 = arith.addi %add3A_204, %add3A_206 : vector<8x2048xi32>
      %add3A_208 = arith.addi %add3A_201, %add3A_207 : vector<8x2048xi32>
      %shift_left3A_209 = arith.constant 13 : i32
      %shift_left3A_210 = vector.broadcast %shift_left3A_209 : i32 to vector<8x2048xi32>
      %shift_left3A_211 = arith.shli %add3A_207, %shift_left3A_210 : vector<8x2048xi32>
      %shift_right_logical3A_212 = arith.constant 19 : i32
      %shift_right_logical3A_213 = vector.broadcast %shift_right_logical3A_212 : i32 to vector<8x2048xi32>
      %shift_right_logical3A_214 = arith.shrui %add3A_207, %shift_right_logical3A_213 : vector<8x2048xi32>
      %or3A_215 = arith.ori %shift_left3A_211, %shift_right_logical3A_214 : vector<8x2048xi32>
      %xor3A_216 = arith.xori %add3A_208, %or3A_215 : vector<8x2048xi32>
      %add3A_217 = arith.addi %add3A_208, %xor3A_216 : vector<8x2048xi32>
      %shift_left3A_218 = arith.constant 15 : i32
      %shift_left3A_219 = vector.broadcast %shift_left3A_218 : i32 to vector<8x2048xi32>
      %shift_left3A_220 = arith.shli %xor3A_216, %shift_left3A_219 : vector<8x2048xi32>
      %shift_right_logical3A_221 = arith.constant 17 : i32
      %shift_right_logical3A_222 = vector.broadcast %shift_right_logical3A_221 : i32 to vector<8x2048xi32>
      %shift_right_logical3A_223 = arith.shrui %xor3A_216, %shift_right_logical3A_222 : vector<8x2048xi32>
      %or3A_224 = arith.ori %shift_left3A_220, %shift_right_logical3A_223 : vector<8x2048xi32>
      %xor3A_225 = arith.xori %add3A_217, %or3A_224 : vector<8x2048xi32>
      %add3A_226 = arith.addi %add3A_217, %xor3A_225 : vector<8x2048xi32>
      %shift_left3A_227 = arith.constant 26 : i32
      %shift_left3A_228 = vector.broadcast %shift_left3A_227 : i32 to vector<8x2048xi32>
      %shift_left3A_229 = arith.shli %xor3A_225, %shift_left3A_228 : vector<8x2048xi32>
      %shift_right_logical3A_230 = arith.constant 6 : i32
      %shift_right_logical3A_231 = vector.broadcast %shift_right_logical3A_230 : i32 to vector<8x2048xi32>
      %shift_right_logical3A_232 = arith.shrui %xor3A_225, %shift_right_logical3A_231 : vector<8x2048xi32>
      %or3A_233 = arith.ori %shift_left3A_229, %shift_right_logical3A_232 : vector<8x2048xi32>
      %xor3A_234 = arith.xori %add3A_226, %or3A_233 : vector<8x2048xi32>
      %add3A_235 = arith.addi %add3A_226, %xor3A_234 : vector<8x2048xi32>
      %shift_left3A_236 = arith.constant 6 : i32
      %shift_left3A_237 = vector.broadcast %shift_left3A_236 : i32 to vector<8x2048xi32>
      %shift_left3A_238 = arith.shli %xor3A_234, %shift_left3A_237 : vector<8x2048xi32>
      %shift_right_logical3A_239 = arith.constant 26 : i32
      %shift_right_logical3A_240 = vector.broadcast %shift_right_logical3A_239 : i32 to vector<8x2048xi32>
      %shift_right_logical3A_241 = arith.shrui %xor3A_234, %shift_right_logical3A_240 : vector<8x2048xi32>
      %or3A_242 = arith.ori %shift_left3A_238, %shift_right_logical3A_241 : vector<8x2048xi32>
      %xor3A_243 = arith.xori %add3A_235, %or3A_242 : vector<8x2048xi32>
      %add3A_244 = arith.constant 0 : i32
      %add3A_245 = vector.broadcast %add3A_244 : i32 to vector<8x2048xi32>
      %add3A_246 = arith.addi %add3A_235, %add3A_245 : vector<8x2048xi32>
      %add3A_247 = arith.constant 1234 : i32
      %add3A_248 = vector.broadcast %add3A_247 : i32 to vector<8x2048xi32>
      %add3A_249 = arith.addi %xor3A_243, %add3A_248 : vector<8x2048xi32>
      %add3A_250 = arith.constant 3 : i32
      %add3A_251 = vector.broadcast %add3A_250 : i32 to vector<8x2048xi32>
      %add3A_252 = arith.addi %add3A_249, %add3A_251 : vector<8x2048xi32>
      %add3A_253 = arith.addi %add3A_246, %add3A_252 : vector<8x2048xi32>
      %shift_left3A_254 = arith.constant 17 : i32
      %shift_left3A_255 = vector.broadcast %shift_left3A_254 : i32 to vector<8x2048xi32>
      %shift_left3A_256 = arith.shli %add3A_252, %shift_left3A_255 : vector<8x2048xi32>
      %shift_right_logical3A_257 = arith.constant 15 : i32
      %shift_right_logical3A_258 = vector.broadcast %shift_right_logical3A_257 : i32 to vector<8x2048xi32>
      %shift_right_logical3A_259 = arith.shrui %add3A_252, %shift_right_logical3A_258 : vector<8x2048xi32>
      %or3A_260 = arith.ori %shift_left3A_256, %shift_right_logical3A_259 : vector<8x2048xi32>
      %xor3A_261 = arith.xori %add3A_253, %or3A_260 : vector<8x2048xi32>
      %add3A_262 = arith.addi %add3A_253, %xor3A_261 : vector<8x2048xi32>
      %shift_left3A_263 = arith.constant 29 : i32
      %shift_left3A_264 = vector.broadcast %shift_left3A_263 : i32 to vector<8x2048xi32>
      %shift_left3A_265 = arith.shli %xor3A_261, %shift_left3A_264 : vector<8x2048xi32>
      %shift_right_logical3A_266 = arith.constant 3 : i32
      %shift_right_logical3A_267 = vector.broadcast %shift_right_logical3A_266 : i32 to vector<8x2048xi32>
      %shift_right_logical3A_268 = arith.shrui %xor3A_261, %shift_right_logical3A_267 : vector<8x2048xi32>
      %or3A_269 = arith.ori %shift_left3A_265, %shift_right_logical3A_268 : vector<8x2048xi32>
      %xor3A_270 = arith.xori %add3A_262, %or3A_269 : vector<8x2048xi32>
      %add3A_271 = arith.addi %add3A_262, %xor3A_270 : vector<8x2048xi32>
      %shift_left3A_272 = arith.constant 16 : i32
      %shift_left3A_273 = vector.broadcast %shift_left3A_272 : i32 to vector<8x2048xi32>
      %shift_left3A_274 = arith.shli %xor3A_270, %shift_left3A_273 : vector<8x2048xi32>
      %shift_right_logical3A_275 = arith.constant 16 : i32
      %shift_right_logical3A_276 = vector.broadcast %shift_right_logical3A_275 : i32 to vector<8x2048xi32>
      %shift_right_logical3A_277 = arith.shrui %xor3A_270, %shift_right_logical3A_276 : vector<8x2048xi32>
      %or3A_278 = arith.ori %shift_left3A_274, %shift_right_logical3A_277 : vector<8x2048xi32>
      %xor3A_279 = arith.xori %add3A_271, %or3A_278 : vector<8x2048xi32>
      %add3A_280 = arith.addi %add3A_271, %xor3A_279 : vector<8x2048xi32>
      %shift_left3A_281 = arith.constant 24 : i32
      %shift_left3A_282 = vector.broadcast %shift_left3A_281 : i32 to vector<8x2048xi32>
      %shift_left3A_283 = arith.shli %xor3A_279, %shift_left3A_282 : vector<8x2048xi32>
      %shift_right_logical3A_284 = arith.constant 8 : i32
      %shift_right_logical3A_285 = vector.broadcast %shift_right_logical3A_284 : i32 to vector<8x2048xi32>
      %shift_right_logical3A_286 = arith.shrui %xor3A_279, %shift_right_logical3A_285 : vector<8x2048xi32>
      %or3A_287 = arith.ori %shift_left3A_283, %shift_right_logical3A_286 : vector<8x2048xi32>
      %xor3A_288 = arith.xori %add3A_280, %or3A_287 : vector<8x2048xi32>
      %add3A_289 = arith.constant 1234 : i32
      %add3A_290 = vector.broadcast %add3A_289 : i32 to vector<8x2048xi32>
      %add3A_291 = arith.addi %add3A_280, %add3A_290 : vector<8x2048xi32>
      %add3A_292 = arith.constant 466689800 : i32
      %add3A_293 = vector.broadcast %add3A_292 : i32 to vector<8x2048xi32>
      %add3A_294 = arith.addi %xor3A_288, %add3A_293 : vector<8x2048xi32>
      %add3A_295 = arith.constant 4 : i32
      %add3A_296 = vector.broadcast %add3A_295 : i32 to vector<8x2048xi32>
      %add3A_297 = arith.addi %add3A_294, %add3A_296 : vector<8x2048xi32>
      %add3A_298 = arith.addi %add3A_291, %add3A_297 : vector<8x2048xi32>
      %shift_left3A_299 = arith.constant 13 : i32
      %shift_left3A_300 = vector.broadcast %shift_left3A_299 : i32 to vector<8x2048xi32>
      %shift_left3A_301 = arith.shli %add3A_297, %shift_left3A_300 : vector<8x2048xi32>
      %shift_right_logical3A_302 = arith.constant 19 : i32
      %shift_right_logical3A_303 = vector.broadcast %shift_right_logical3A_302 : i32 to vector<8x2048xi32>
      %shift_right_logical3A_304 = arith.shrui %add3A_297, %shift_right_logical3A_303 : vector<8x2048xi32>
      %or3A_305 = arith.ori %shift_left3A_301, %shift_right_logical3A_304 : vector<8x2048xi32>
      %xor3A_306 = arith.xori %add3A_298, %or3A_305 : vector<8x2048xi32>
      %add3A_307 = arith.addi %add3A_298, %xor3A_306 : vector<8x2048xi32>
      %shift_left3A_308 = arith.constant 15 : i32
      %shift_left3A_309 = vector.broadcast %shift_left3A_308 : i32 to vector<8x2048xi32>
      %shift_left3A_310 = arith.shli %xor3A_306, %shift_left3A_309 : vector<8x2048xi32>
      %shift_right_logical3A_311 = arith.constant 17 : i32
      %shift_right_logical3A_312 = vector.broadcast %shift_right_logical3A_311 : i32 to vector<8x2048xi32>
      %shift_right_logical3A_313 = arith.shrui %xor3A_306, %shift_right_logical3A_312 : vector<8x2048xi32>
      %or3A_314 = arith.ori %shift_left3A_310, %shift_right_logical3A_313 : vector<8x2048xi32>
      %xor3A_315 = arith.xori %add3A_307, %or3A_314 : vector<8x2048xi32>
      %add3A_316 = arith.addi %add3A_307, %xor3A_315 : vector<8x2048xi32>
      %shift_left3A_317 = arith.constant 26 : i32
      %shift_left3A_318 = vector.broadcast %shift_left3A_317 : i32 to vector<8x2048xi32>
      %shift_left3A_319 = arith.shli %xor3A_315, %shift_left3A_318 : vector<8x2048xi32>
      %shift_right_logical3A_320 = arith.constant 6 : i32
      %shift_right_logical3A_321 = vector.broadcast %shift_right_logical3A_320 : i32 to vector<8x2048xi32>
      %shift_right_logical3A_322 = arith.shrui %xor3A_315, %shift_right_logical3A_321 : vector<8x2048xi32>
      %or3A_323 = arith.ori %shift_left3A_319, %shift_right_logical3A_322 : vector<8x2048xi32>
      %xor3A_324 = arith.xori %add3A_316, %or3A_323 : vector<8x2048xi32>
      %add3A_325 = arith.addi %add3A_316, %xor3A_324 : vector<8x2048xi32>
      %shift_left3A_326 = arith.constant 6 : i32
      %shift_left3A_327 = vector.broadcast %shift_left3A_326 : i32 to vector<8x2048xi32>
      %shift_left3A_328 = arith.shli %xor3A_324, %shift_left3A_327 : vector<8x2048xi32>
      %shift_right_logical3A_329 = arith.constant 26 : i32
      %shift_right_logical3A_330 = vector.broadcast %shift_right_logical3A_329 : i32 to vector<8x2048xi32>
      %shift_right_logical3A_331 = arith.shrui %xor3A_324, %shift_right_logical3A_330 : vector<8x2048xi32>
      %or3A_332 = arith.ori %shift_left3A_328, %shift_right_logical3A_331 : vector<8x2048xi32>
      %xor3A_333 = arith.xori %add3A_325, %or3A_332 : vector<8x2048xi32>
      %add3A_334 = arith.constant 466689800 : i32
      %add3A_335 = vector.broadcast %add3A_334 : i32 to vector<8x2048xi32>
      %add3A_336 = arith.addi %add3A_325, %add3A_335 : vector<8x2048xi32>
      %add3A_337 = arith.constant 0 : i32
      %add3A_338 = vector.broadcast %add3A_337 : i32 to vector<8x2048xi32>
      %add3A_339 = arith.addi %xor3A_333, %add3A_338 : vector<8x2048xi32>
      %add3A_340 = arith.constant 5 : i32
      %add3A_341 = vector.broadcast %add3A_340 : i32 to vector<8x2048xi32>
      %add3A_342 = arith.addi %add3A_339, %add3A_341 : vector<8x2048xi32>
      %xor3A_343 = arith.xori %add3A_336, %add3A_342 : vector<8x2048xi32>
      %shift_right_logical3A_344 = arith.constant 9 : i32
      %shift_right_logical3A_345 = vector.broadcast %shift_right_logical3A_344 : i32 to vector<8x2048xi32>
      %shift_right_logical3A_346 = arith.shrui %xor3A_343, %shift_right_logical3A_345 : vector<8x2048xi32>
      %or3A_347 = arith.constant 1065353216 : i32
      %or3A_348 = vector.broadcast %or3A_347 : i32 to vector<8x2048xi32>
      %or3A_349 = arith.ori %shift_right_logical3A_346, %or3A_348 : vector<8x2048xi32>
      %bitcast_convert_type3A_350 = tpu.bitcast %or3A_349 : vector<8x2048xi32> -> vector<8x2048xf32>
      %sub3A_351 = arith.constant 1.000000e+00 : f32
      %sub3A_352 = vector.broadcast %sub3A_351 : f32 to vector<8x2048xf32>
      %sub3A_353 = arith.subf %bitcast_convert_type3A_350, %sub3A_352 : vector<8x2048xf32>
      %sub3A_354 = arith.constant 1.000000e+00 : f32
      %sub3A_355 = arith.constant 1.17549435E-38 : f32
      %sub3A_356 = arith.subf %sub3A_354, %sub3A_355 : f32
      %mul3A_357 = vector.broadcast %sub3A_356 : f32 to vector<8x2048xf32>
      %mul3A_358 = arith.mulf %sub3A_353, %mul3A_357 : vector<8x2048xf32>
      %add3A_359 = arith.constant 1.17549435E-38 : f32
      %add3A_360 = vector.broadcast %add3A_359 : f32 to vector<8x2048xf32>
      %add3A_361 = arith.addf %mul3A_358, %add3A_360 : vector<8x2048xf32>
      %max3A = arith.constant 1.17549435E-38 : f32
      %max3A_362 = vector.broadcast %max3A : f32 to vector<8x2048xf32>
      %max3A_363 = arith.maximumf %max3A_362, %add3A_361 : vector<8x2048xf32>
      %log3A = math.log %max3A_363 : vector<8x2048xf32>
      %neg3A = arith.constant 0.000000e+00 : f32
      %neg3A_364 = vector.broadcast %neg3A : f32 to vector<8x2048xf32>
      %neg3A_365 = arith.subf %neg3A_364, %log3A : vector<8x2048xf32>
      %log3A_366 = math.log %neg3A_365 : vector<8x2048xf32>
      %neg3A_367 = arith.constant 0.000000e+00 : f32
      %neg3A_368 = vector.broadcast %neg3A_367 : f32 to vector<8x2048xf32>
      %neg3A_369 = arith.subf %neg3A_368, %log3A_366 : vector<8x2048xf32>
      %add3A_370 = arith.addf %div3A_94, %neg3A_369 : vector<8x2048xf32>
      %jit3A_371 = arith.constant -1.000000e+30 : f32
      %broadcast_in_dim3A_372 = vector.broadcast %jit3A_371 : f32 to vector<8x2048xf32>
      %select_n3A_373 = arith.select %ge3A_96, %add3A_370, %broadcast_in_dim3A_372 : vector<8x2048xi1>, vector<8x2048xf32>
      %reduce_max3A = arith.constant dense<0xFF800000> : vector<8xf32>
      %reduce_max3A_374 = vector.multi_reduction <maximumf>, %select_n3A_373, %reduce_max3A [1] : vector<8x2048xf32> to vector<8xf32>
      %broadcast_in_dim3A_375 = vector.shape_cast %reduce_max3A_374 : vector<8xf32> to vector<8x1xf32>
      %eq3A = vector.broadcast %broadcast_in_dim3A_375 : vector<8x1xf32> to vector<8x2048xf32>
      %eq3A_376 = arith.cmpf oeq, %select_n3A_373, %eq3A : vector<8x2048xf32>
      %jit3A_377 = arith.constant 1073741824 : i32
      %broadcast_in_dim3A_378 = vector.broadcast %jit3A_377 : i32 to vector<8x2048xi32>
      %select_n3A_379 = arith.select %eq3A_376, %add3A_112, %broadcast_in_dim3A_378 : vector<8x2048xi1>, vector<8x2048xi32>
      %reduce_min3A = arith.constant dense<2147483647> : vector<8xi32>
      %reduce_min3A_380 = vector.multi_reduction <minsi>, %select_n3A_379, %reduce_min3A [1] : vector<8x2048xi32> to vector<8xi32>
      %broadcast_in_dim3A_381 = vector.shape_cast %reduce_min3A_380 : vector<8xi32> to vector<8x1xi32>
      %gt3A = arith.cmpf ogt, %broadcast_in_dim3A_375, %scan3A_86 : vector<8x1xf32>
      %eq3A_382 = arith.cmpf oeq, %broadcast_in_dim3A_375, %scan3A_86 : vector<8x1xf32>
      %lt3A_383 = arith.cmpi slt, %broadcast_in_dim3A_381, %scan3A_87 : vector<8x1xi32>
      %and3A = arith.andi %eq3A_382, %lt3A_383 : vector<8x1xi1>
      %or3A_384 = arith.ori %gt3A, %and3A : vector<8x1xi1>
      %select_n3A_385 = arith.select %or3A_384, %broadcast_in_dim3A_375, %scan3A_86 : vector<8x1xi1>, vector<8x1xf32>
      %select_n3A_386 = arith.select %or3A_384, %broadcast_in_dim3A_381, %scan3A_87 : vector<8x1xi1>, vector<8x1xi32>
      scf.yield %add3A_107, %select_n3A_385, %select_n3A_386 : vector<8x1xf32>, vector<8x1xf32>, vector<8x1xi32>
    }
    %scan3A_72 = arith.constant 50 : i32
    %div3A = arith.constant 1.000000e+00 : f32
    %div3A_73 = vector.broadcast %div3A : f32 to vector<8x1xf32>
    %div3A_74 = arith.divf %div3A_73, %scan3A_71#0 : vector<8x1xf32>
    %scan3A_75 = arith.constant 0 : i32
    %scan3A_76 = arith.constant 50 : i32
    %scan3A_77 = arith.addi %scan3A_75, %scan3A_76 : i32
    %scan3A_78 = arith.constant 1 : i32
    scf.for %scan3A_84 = %scan3A_75 to %scan3A_77 step %scan3A_78  : i32 {
      %mul3A_85 = arith.constant 2048 : i32
      %mul3A_86 = arith.muli %scan3A_84, %mul3A_85 : i32
      %multiple_of3A = tpu.assume_multiple %mul3A_86, 2048 : i32
      %get3A = arith.constant 0 : index
      %get3A_87 = arith.index_cast %multiple_of3A : i32 to index
      %get3A_88 = vector.load %arg2[%get3A, %get3A_87] : memref<8x102400xf32, #tpu.memory_space<vmem>>, vector<8x2048xf32>
      %mul3A_89 = vector.broadcast %div3A_74 : vector<8x1xf32> to vector<8x2048xf32>
      %mul3A_90 = arith.mulf %get3A_88, %mul3A_89 : vector<8x2048xf32>
      %swap3A_91 = arith.constant 0 : index
      %swap3A_92 = arith.index_cast %multiple_of3A : i32 to index
      %swap3A_93 = vector.load %arg2[%swap3A_91, %swap3A_92] : memref<8x102400xf32, #tpu.memory_space<vmem>>, vector<8x2048xf32>
      tpu.vector_store %arg2[%swap3A_91, %swap3A_92], %mul3A_90 {strides = array<i32>} : memref<8x102400xf32, #tpu.memory_space<vmem>>, vector<8x2048xf32>,
    }
    %scan3A_79 = arith.constant 50 : i32
    %broadcast_in_dim3A_80 = vector.shape_cast %scan3A_71#2 : vector<8x1xi32> to vector<8x1xi32>
    %broadcast_in_dim3A_81 = vector.broadcast %broadcast_in_dim3A_80 : vector<8x1xi32> to vector<8x128xi32>
    %swap3A = arith.constant 0 : index
    %swap3A_82 = arith.constant 0 : index
    %swap3A_83 = vector.load %arg3[%swap3A, %swap3A_82] : memref<8x128xi32, #tpu.memory_space<vmem>>, vector<8x128xi32>
    tpu.vector_store %arg3[%swap3A, %swap3A_82], %broadcast_in_dim3A_81 {strides = array<i32>} : memref<8x128xi32, #tpu.memory_space<vmem>>, vector<8x128xi32>,
    return
  }
  func.func @transform_0(%arg0: i32) -> (i32, i32) {
    %c0_i32 = arith.constant 0 : i32
    %c0_i32_0 = arith.constant 0 : i32
    return %arg0, %c0_i32 : i32, i32
  }
  func.func @transform_1(%arg0: i32) -> (i32, i32) {
    %c0_i32 = arith.constant 0 : i32
    %c0_i32_0 = arith.constant 0 : i32
    return %arg0, %c0_i32 : i32, i32
  }
  func.func @transform_2(%arg0: i32) -> (i32, i32) {
    %c0_i32 = arith.constant 0 : i32
    %c0_i32_0 = arith.constant 0 : i32
    return %arg0, %c0_i32 : i32, i32
  }
}

</mosaic_0001>

<sc_bundles>
// kernel: sparse-core-data-format-call.cloned.1.call-start
scs
called_computation_lowered:
.L_overlay_start_0:
0x0: {  	s2 =	sld [smem:$0x3FD9]  }
0x1: {  	s3 =	sld [smem:$0x3FFE];
	_ =	sdelay $0x1  }
0x2: {  	s1 =	srdreg.scid  }
0x3: {  	s0 =	sand.u32 $0x1, s1  }
0x4: {  	s15 =	sshll.u32 s0, $0xA;
	s2 =	sadd.s32 s3, s2  }
0x5: {  	s2 =	sadd.s32 s2, s15  }
0x6: {  	[smem:$0x3FC7] =	sst s2  }
0x7: {  	_ = 	snop  }
0x8: {  	s2 =	sld [smem:$0x3FD0];
	_ =	sdelay $0x2  }
0x9: {  	s16 =	simm.s32 $0xA;
	s4 =	simm.s32 $0x10  }
0xa: {  	[smem:s4], [sflag:s16] =	dma.local [hbm:s2], $0x1  }
0xb: {  	_ =	swait.eq [sflag:s16], $0x1  }
0xc: {  	[sflag:s16] =	ssyncset.done $0x0  }
0xd: {  	[sflag:s16] =	ssyncadd.s32 $0xFFFFFFFF  }
0xe: {  	s17 =	sld [smem:$0x10];
	(tm) =	ssettm $0x1  }
0xf: {  	s18 =	sld [smem:$0x3FFB];
	_ =	sdelay $0x3  }
0x10: {  	_ =	strace s18  }
0x11: {  	s3 =	sld [smem:$0x3FFC];
	_ =	sdelay $0x3  }
0x12: {  	_ =	strace s3  }
0x13: {  	s3 =	sld [smem:$0x3FFD];
	_ =	sdelay $0x3  }
0x14: {  	_ =	strace s3  }
0x15: {  	_ =	strace $0x8FFFFFFF  }
0x16: {  	s19 =	sld [smem:$0x3FDB];
	_ =	sdelay $0x1  }
0x17: {  	s20 =	simm.s32 $_scs_section_size  }
0x18: {  	s5 =	simm.s32 $_size__tile_overlayer_lowered;
	s6 =	simm.s32 $_tile_overlayer_lowered  }
0x19: {  	s23 =	simm.s32 $0x1BFF;
	s22 =	sshll.u32 s6, $0x1;
	s3 =	sadd.s32 s20, s19  }
0x1a: {  	s7 =	simm.s32 $0x0;
	s21 =	sshll.u32 s5, $0x1;
	s5 =	sadd.s32 s22, s3  }
0x1b: {  	[timem:s7], [sflag:s23] =	dma.local [hbm:s5], s21  }
0x1c: {  	_ =	swait.ge [sflag:s23], s21  }
0x1d: {  	s4 =	ssub.s32 $0x0, s21;
	[sflag:s23] =	ssyncset.done $0x0  }
0x1e: {  	[sflag:s23] =	ssyncadd.s32 s4;
	_ =	sdelay $0x1  }
0x1f: {  	s24 =	simm.s32 $0x1B8B  }
0x20: {  	_ =	swait.ge [sflag:s24], $0x1  }
0x21: {  	[sflag:s24] =	ssyncset.done $0x0  }
0x22: {  	s26 =	simm.s32 $0x1B8E;
	s25 =	sld [smem:$0x3FFE];
	[sflag:s24] =	ssyncadd.s32 $0xFFFFFFFF  }
0x23: {  	s27 =	simm.s32 $execute0_lowered;
	[smem:$0x3FD2] =	sst s26  }
0x24: {  	s5 =	sshll.u32 s27, $0x1;
	_ =	strace $0x80000046;
	[dreg:$0x1] =	wrdreg $0xFFFFFFFF  }
0x25: {  	s28 =	simm.s32 $_size_execute0_lowered;
	s3 =	sadd.s32 s3, s5;
	[dreg:$0x0] =	wrdreg $0x0  }
0x26: {  	s5 =	sshll.u32 s28, $0x1;
	[dreg:$0x2] =	wrdreg s3  }
0x27: {  	[dreg:$0x3] =	wrdreg s5  }
0x28: {  	[dreg:$0x4] =	wrdreg $0xC0  }
0x29: {  	_ =	task [dreg:s7], $0x5FFFF  }
0x2a: {  	[dreg:$0x1] =	wrdreg $0xFFFFFFFF  }
0x2b: {  	[dreg:$0x0] =	wrdreg $0x60  }
0x2c: {  	[dreg:$0x2] =	wrdreg s25  }
0x2d: {  	[dreg:$0x3] =	wrdreg s17  }
0x2e: {  	[dreg:$0x4] =	wrdreg $0x9  }
0x2f: {  	_ =	task.clear_ibuf [dreg:s7], $0x5FFFF;
	_ =	strace $0x90000046  }
0x30: {  	s29 =	simm.s32 $0x9;
	_ =	strace $0x80000048  }
0x31: {  	_ =	swait.ge [sflag:s29], $0x1  }
0x32: {  	[sflag:s29] =	ssyncadd.s32 $0xFFFFFFFF  }
0x33: {  	_ =	strace $0x90000048  }
0x34: {  	_ =	sfence  }
0x35: {  	s30 =	sld [smem:$0x0];
	_ =	sdelay $0x2  }
0x36: {  	s31 =	sshll.u32 s1, $0xD;
	s1 =	sshrl.u32 s1, $0x2  }
0x37: {  	s3 =	sand.u32 $0x4000, s31;
	s1 =	sadd.s32 s1, s30  }
0x38: {  	s0 =	sor.u32 s3, s0;
	s1 =	sshll.u32 s1, $0x11  }
0x39: {  	s0 =	sor.u32 s1, s0  }
0x3a: {  	s0 =	sadd.s32 $0x8F2B, s0  }
0x3b: {  	[sflag:s0] =	ssyncadd.remote.s32 $0x1  }
0x3c: {  	_ =	sfence.sel $0xFFFF  }
0x3d: {  	[dreg:$0x0] =	wrdreg $0xFFFFFFFF;
	(pc) =	sbr.abs _section_cstart, $3  }
0x3e: {  	[dreg:$0x1] =	wrdreg $0xFFFFFFFF  }
0x3f: {  	_ =	task.clear_ibuf [dreg:s7], $0x2FFFF;
	_ =	strace $0x9FFFFFFF  }
0x40: {  	(tm) =	ssettm $0x7FFFFFFF  }
0x41: {  	_ =	shalt  }
tec
execute0_lowered:
.L_overlay_start_1:
0x0: {  	(tag) =	ssettag $0x1  }
0x1: {  	s4 =	rddreg [dreg:$0x0]  }
0x2: {  	s0 =	srdreg.scid;
	s2 =	rddreg [dreg:$0x1]  }
0x3: {  	s1 =	stileid.u32;
	s5 =	simm.s32 $0x1;
	s7 =	simm.s32 $0x2  }
0x4: {  	s14 =	simm.s32 $0x0;
	p0 =	por $0x0, $0x0;
	s0 =	sshll.u32 s0, $0x4  }
0x5: {  	s13 =	simm.s32 $0x0;
	s8 =	simm.s32 $0x0;
	s3 =	sand.u32 $0x10, s0  }
.Ltmp0:
0x6: {  	s9 =	simm.s32 $0x0;
	s3 =	sor.u32 s1, s3;
	(pc) =	sbr.rel .LBB1_1-.Ltmp0, $4  }
0x7: {  	s11 =	simm.s32 $0x0;
	s12 =	simm.s32 $0x0;
	s3 =	sshll.u32 s3, $0x7  }
0x8: {  	s0 =	rddreg [dreg:$0x2];
	_ =	strace $0x80000047;
	s6 =	ssub.s32 $0x18680, s3  }
0x9: {  	s4 =	sadd.s32 $0x200, s4;
	[sflag:s5] =	ssyncpa.u1 $0x0;
	s6 =	sshrl.u32 s6, $0xC  }
0xa: {  	[sflag:s7] =	ssyncpa.u1 $0x0;
	s10 =	smov.u32 s3;
	s7 =	sadd.s32 $0x2, s6  }
.LBB1_5:
0xb: {  	p1 =	slt.u32 s12, $0x2  }
0xc: {  	p2 =	sgt.s32 @!p1 s14, $0x18620  }
0xd: {  	s15 =	smov.u32 s14;
	s16 =	sshra.s32 @!p1 s14, $0x1F;
	p2 =	por !p2, p1  }
0xe: {  	s14 =	sand.u32 @!p1 s16, s14;
	s15 =	simm.s32 @p2 $0x18620  }
0xf: {  	s14 =	ssub.s32 @!p1 s15, s14;
	s15 =	ssub.s32 @!p1 $0x0, s13  }
0x10: {  	s17 =	smov.u32 s11;
	s16 =	sadd.s32 @!p1 $0xFFFE79E0, s14;
	s13 =	smin.u32 @!p1 s13, s15  }
0x11: {  	s14 =	ssub.s32 @!p1 $0x186A0, s14;
	p2 =	sgt.s32 @!p1 s16, $0x7F;
	p3 =	sgt.s32 @!p1 s13, $0x7F  }
0x12: {  	s13 =	ssub.s32 @!p1 $0x80, s13;
	p2 =	por !p2, p1;
	p3 =	por !p3, p1  }
0x13: {  	s15 =	sadd.s32 $0x1000, s10;
	s14 =	simm.s32 @!p2 $0x0;
	s13 =	simm.s32 @!p3 $0x0  }
0x14: {  	p2 =	sgt.s32 s15, $0x1869F;
	s13 =	smul.u32 @!p1 s13, s14;
	s14 =	sadd.s32 $0x80, s11  }
0x15: {  	s17 =	smov.u32 @p2 s14  }
0x16: {  	s15 =	smov.u32 @p2 s3;
	p2 =	sgt.s32 s17, $0x7F  }
0x17: {  	s17 =	simm.s32 @p2 $0x0;
	p2 =	sne.s32 s12, s7  }
.Ltmp1:
0x18: {  	p0 =	por !p0, !p0;
	s16 =	simm.s32 @!p1 $0x2;
	(pc) =	sbr.rel @!p2 .LBB1_6-.Ltmp1, $4  }
0x19: {  	s14 =	smov.u32 s8;
	s8 =	smov.u32 s10;
	s13 =	sand.u32 @!p1 $0x3FFFFFFF, s13  }
0x1a: {  	s10 =	smov.u32 s15;
	_ =	swait.ge @!p1 [sflag:s16], s13;
	s18 =	ssub.s32 @!p1 $0x0, s13  }
0x1b: {  	s13 =	smov.u32 s9;
	s12 =	sadd.s32 $0x1, s12;
	[sflag:s16] =	ssyncset.done @!p1 $0x0  }
0x1c: {  	s9 =	smov.u32 s11;
	s11 =	smov.u32 s17;
	[sflag:s16] =	ssyncadd.s32 @!p1 s18  }
.LBB1_1:
0x1d: {  	p1 =	sgt.u32 s12, s6  }
0x1e: {  	s15 =	sshrl.u32 @!p1 s11, $0x3  }
0x1f: {  	s16 =	sshll.u32 @!p1 s10, $0x3;
	s15 =	smul.u32 @!p1 $0xC3800, s15  }
0x20: {  	s17 =	sshll.u32 @!p1 s11, $0x7;
	s16 =	sand.u32 @!p1 $0xFFFFFC00, s16  }
0x21: {  	s15 =	sadd.s32 @!p1 s15, s16;
	s16 =	sand.u32 @!p1 $0x380, s17  }
0x22: {  	s17 =	sand.u32 @!p1 $0x7F, s10;
	s15 =	sor.u32 @!p1 s16, s15  }
0x23: {  	s16 =	sor.u32 @!p1 s17, s15  }
0x24: {  	s17 =	smulhi.u32 @!p1 $0xA79C7B17, s16;
	_ =	sdelay $0x1  }
0x25: {  	s15 =	smulhi.u32 @!p1 $0xA79C7B17, s15;
	s17 =	sshrl.u32 @!p1 s17, $0x10  }
0x26: {  	s17 =	smul.u32 @!p1 $0x18700, s17  }
0x27: {  	s18 =	sxor.u32 @!p1 $0xFFFFFFFF, s12;
	s15 =	sshrl.u32 @!p1 s15, $0x10  }
0x28: {  	s18 =	sshll.u32 @!p1 s18, $0xE;
	s15 =	sand.u32 @!p1 $0x7F, s15;
	s16 =	ssub.s32 @!p1 s16, s17  }
0x29: {  	s15 =	smul.u32 @!p1 $0x30E0, s15;
	s17 =	sshrl.u32 @!p1 s16, $0x3;
	s16 =	sand.u32 @!p1 $0x7, s16  }
0x2a: {  	s18 =	sand.u32 @!p1 $0x4000, s18;
	s17 =	sadd.s32 @!p1 s4, s17;
	s16 =	sshll.u32 @!p1 s16, $0x12  }
0x2b: {  	s15 =	sadd.s32 @!p1 s15, s17;
	s16 =	sor.u32 @!p1 $0x400, s16;
	s17 =	simm.s32 @!p1 $0xC3800  }
0x2c: {  	[tilespmem:s18], [sflag:$0x1] =	stream.strided.gather @!p1 [hbm4b:s15+s16], $0x4000, s17, s16, $0x38;
	[tilespmem:$0x10100] =	vst v63  }
0x2d: {  	p1 =	seq.s32 s12, $0x0  }
0x2e: {  	p2 =	sge.u32 @!p1 s12, s7  }
0x2f: {  	p1 =	por p1, p2  }
.Ltmp2:
0x30: {  	_ = 	snop;
	(pc) =	sbr.rel @p1 .LBB1_5-.Ltmp2, $1  }
0x31: {  	_ =	sdelay $0x3  }
0x32: {  	s15 =	simm.s32 $0x1  }
0x33: {  	_ =	swait.ge [sflag:s5], $0x4000;
	s15 =	simm.s32 @!p0 $0x0  }
0x34: {  	[sflag:s5] =	ssyncset.done $0x0;
	s16 =	sshll.u32 s15, $0xE  }
0x35: {  	[sflag:s5] =	ssyncadd.s32 $0xFFFFC000;
	s16 =	sor.u32 $0x40, s16  }
0x36: {  	s15 =	smul.u32 $0x10200, s15;
	v0 =	vld [tilespmem:s16+$0x30]  }
0x37: {  	v1 =	vld [tilespmem:s16+$0xFFFFFFD0]  }
0x38: {  	s15 =	sshrl.u32 s15, $0x2;
	v5 =	vld [tilespmem:s16+$0xFFFFFFE0]  }
0x39: {  	v6 =	vld [tilespmem:s16+$0xFFFFFFF0];
	s18 =	sor.u32 $0x8000, s15  }
0x3a: {  	s31 =	sand.u32 $0x1, s12;
	v4 =	vld [tilespmem:s16+$0x0];
	s17 =	sadd.s32 $0x0, s18  }
0x3b: {  	v3 =	vld [tilespmem:s16+$0x10];
	s15 =	smul.u32 $0x10200, s31;
	[tilespmem:s17+$0x3870 ss:$0x81] =	vst.msk $0xffff, v0  }
0x3c: {  	v2 =	vld [tilespmem:s16+$0x20];
	[tilespmem:s17+$0x810 ss:$0x81] =	vst.msk $0xffff, v1  }
0x3d: {  	s15 =	sshrl.u32 s15, $0x2;
	v0 =	vld [tilespmem:s16+$0xFFFFFFC0];
	[tilespmem:s17+$0x1020 ss:$0x81] =	vst.msk $0xffff, v5;
	s16 =	sadd.s32 $0x80, s16  }
0x3e: {  	s19 =	simm.s32 $0x4;
	s20 =	simm.s32 $0x8;
	s15 =	sor.u32 $0x8000, s15;
	[tilespmem:s17+$0x1830 ss:$0x81] =	vst.msk $0xffff, v6;
	v1 =	vld [tilespmem:s16+$0x30]  }
.LBB1_3:
0x3f: {  	p1 =	sne.s32 s20, $0x1FC;
	v5 =	vld [tilespmem:s16+$0xFFFFFFD0];
	[tilespmem:s17+$0x2040 ss:$0x81] =	vst.msk $0xffff, v4  }
0x40: {  	v6 =	vld [tilespmem:s16+$0xFFFFFFE0];
	[tilespmem:s17+$0x2850 ss:$0x81] =	vst.msk $0xffff, v3  }
0x41: {  	s21 =	sshra.s32 s19, $0x2;
	s19 =	smov.u32 s20;
	v7 =	vld [tilespmem:s16+$0xFFFFFFF0];
	[tilespmem:s17+$0x3060 ss:$0x81] =	vst.msk $0xffff, v2  }
.Ltmp3:
0x42: {  	v4 =	vld [tilespmem:s16+$0x0];
	[tilespmem:s17+$0x0 ss:$0x81] =	vst.msk $0xffff, v0;
	s17 =	sadd.s32 s21, s18;
	(pc) =	sbr.rel @p1 .LBB1_3-.Ltmp3, $4  }
0x43: {  	v3 =	vld [tilespmem:s16+$0x10];
	[tilespmem:s17+$0x3870 ss:$0x81] =	vst.msk $0xffff, v1  }
0x44: {  	[tilespmem:s17+$0x810 ss:$0x81] =	vst.msk $0xffff, v5;
	v2 =	vld [tilespmem:s16+$0x20]  }
0x45: {  	v0 =	vld [tilespmem:s16+$0xFFFFFFC0];
	[tilespmem:s17+$0x1020 ss:$0x81] =	vst.msk $0xffff, v6;
	s16 =	sadd.s32 $0x80, s16  }
0x46: {  	s20 =	sadd.s32 $0x4, s20;
	v1 =	vld [tilespmem:s16+$0x30];
	[tilespmem:s17+$0x1830 ss:$0x81] =	vst.msk $0xffff, v7  }
0x47: {  	s20 =	sshll.u32 s8, $0x7;
	s21 =	sshll.u32 s9, $0x3;
	s19 =	sshra.s32 s19, $0x2  }
0x48: {  	v5 =	vld [tilespmem:s16+$0xFFFFFFD0];
	[tilespmem:s17+$0x2040 ss:$0x81] =	vst.msk $0xffff, v4;
	p1 =	sgt.s32 s8, $0x18620;
	s22 =	sand.u32 $0xFFFFFC00, s20;
	s21 =	sand.u32 $0xFFFFFC00, s21  }
0x49: {  	v58 =	vld [tilespmem:s16+$0xFFFFFFE0];
	s24 =	sshra.s32 s8, $0x1F;
	s20 =	sand.u32 $0x380, s20;
	[tilespmem:s17+$0x2850 ss:$0x81] =	vst.msk $0xffff, v3;
	s21 =	sadd.s32 s21, s22  }
0x4a: {  	v59 =	vld [tilespmem:s16+$0xFFFFFFF0];
	s26 =	ssub.s32 $0x0, s9;
	s18 =	sadd.s32 s19, s18;
	[tilespmem:s17+$0x3060 ss:$0x81] =	vst.msk $0xffff, v2;
	s23 =	sor.u32 s20, s21  }
0x4b: {  	v60 =	vld [tilespmem:s16+$0x0];
	s28 =	smin.u32 s9, s26;
	s20 =	smov.u32 s8;
	[tilespmem:s17+$0x0 ss:$0x81] =	vst.msk $0xffff, v0;
	s19 =	sshrl.u32 s23, $0x7  }
0x4c: {  	v61 =	vld [tilespmem:s16+$0x10];
	s21 =	sand.u32 s24, s8;
	s20 =	simm.s32 @!p1 $0x18620;
	[tilespmem:s18+$0x3870 ss:$0x81] =	vst.msk $0xffff, v1;
	s25 =	smulhi.u32 $0x14F8B59, s19  }
0x4d: {  	v62 =	vld [tilespmem:s16+$0x20];
	s29 =	sshrl.u32 s9, $0x3;
	p2 =	sgt.s32 s28, $0x7F;
	s20 =	ssub.s32 s20, s21;
	[tilespmem:s18+$0x810 ss:$0x81] =	vst.msk $0xffff, v5  }
0x4e: {  	v63 =	vld [tilespmem:s16+$0xFFFFFFC0];
	[tilespmem:s18+$0x1020 ss:$0x81] =	vst.msk $0xffff, v58;
	s21 =	sadd.s32 $0xFFFE79E0, s20;
	s20 =	ssub.s32 $0x186A0, s20;
	s17 =	sshrl.u32 s25, $0x9  }
0x4f: {  	[tilespmem:s18+$0x1830 ss:$0x81] =	vst.msk $0xffff, v59;
	p1 =	sgt.s32 s21, $0x7F;
	s27 =	smul.u32 $0x186A0, s17;
	s17 =	ssub.s32 $0x80, s28  }
.Ltmp4:
0x50: {  	[tilespmem:s18+$0x2040 ss:$0x81] =	vst.msk $0xffff, v60;
	s20 =	simm.s32 @p1 $0x0;
	s17 =	simm.s32 @p2 $0x0;
	(pc) =	sbr.rel .LBB1_5-.Ltmp4, $4  }
0x51: {  	s30 =	sand.u32 $0xF, s29;
	[tilespmem:s18+$0x2850 ss:$0x81] =	vst.msk $0xffff, v61;
	s16 =	ssub.s32 s19, s27;
	s17 =	smul.u32 s17, s20  }
0x52: {  	[tilespmem:s18+$0x3060 ss:$0x81] =	vst.msk $0xffff, v62;
	s19 =	sadd.s32 s2, s30;
	s16 =	sshll.u32 s16, $0x4  }
0x53: {  	s31 =	sand.u32 $0x7, s9;
	[tilespmem:s18+$0x0 ss:$0x81] =	vst.msk $0xffff, v63;
	s17 =	sand.u32 $0x3FFFFFFF, s17;
	s16 =	sadd.s32 s16, s19  }
0x54: {  	[hbm4b:s16+s31] =	stream.linear.scatter [tilespmem:s15], [sflag:$0x2], s17, $0x20;
	[tilespmem:$0x10100] =	vst v63  }
.LBB1_6:
0x55: {  	_ =	sfence.sel $0x180000  }
0x56: {  	s2 =	simm.s32 $0x1;
	[bflag:$0x0] =	sbarrier.arrive $0xFFFF  }
0x57: {  	s31 =	simm.s32 $0x2;
	[sflag:s2] =	ssyncpa.u1 $0x1  }
0x58: {  	[sflag:s31] =	ssyncpa.u1 $0x1  }
0x59: {  	p0 =	sne.s32 s1, $0x0;
	_ =	strace $0x90000047  }
0x5a: {  	s0 =	sadd.s32 @!p0 $0x100000, s0;
	[bflag:$0x2] =	sbarrier.arrive $0xFFFF  }
0x5b: {  	[sflag:s0] =	ssyncadd.tile.s32 @!p0 $0x1;
	_ =	shalt  }
.Lfunc_end1:
_tile_overlayer_lowered:
.L_overlay_start_2:
0x5c: {  	(tag) =	ssettag $0x2  }
0x5d: {  	s0 =	rddreg [dreg:$0x0];
	s2 =	stileid.u32  }
0x5e: {  	s1 =	rddreg [dreg:$0x1];
	p0 =	sne.s32 s2, $0x0  }
0x5f: {  	s3 =	rddreg [dreg:$0x2];
	[bflag:$0x3] =	sbarrier.arrive $0xFFFF;
	s2 =	simm.s32 @!p0 $0x1C01  }
0x60: {  	[timem:s3], [sflag:s2] =	dma.local @!p0 [hbm:s0], s1  }
0x61: {  	s0 =	simm.s32 @!p0 $0x1  }
0x62: {  	_ =	swait.ge @!p0 [sflag:s0], s1  }
0x63: {  	s1 =	ssub.s32 @!p0 $0x0, s1;
	[sflag:s0] =	ssyncset.done @!p0 $0x0  }
0x64: {  	[sflag:s0] =	ssyncadd.s32 @!p0 s1  }
0x65: {  	[bflag:$0x3] =	sbarrier.arrive $0xFFFF  }
0x66: {  	_ =	shalt  }

</sc_bundles>
